<compile_context>
chip_gen: v7x
topology: tpu7x:2x2x1
jax: 0.10.2.dev20260603
libtpu: 0.0.44.dev20260713+nightly
codegen_flags: <defaults>
</compile_context>

<pallas_src>
import jax
import jax.numpy as jnp
from jax import lax
from jax.experimental import pallas as pl
from jax.experimental.pallas import tpu as pltpu
from jax.experimental.pallas import tpu_sc as plsc
from jax._src.pallas import mpmd as _mpmd

_N = 10000
_K = 5000
_D = 512

_NC = 2
_NS = 16
_NW = _NC * _NS
_CH = 160
_SUB = 80


def _scatter_body(zeros_hbm, x_hbm, idx_hbm, out_hbm, idxv, xv, sem):
    del zeros_hbm
    wid = lax.axis_index("s") * _NC + lax.axis_index("c")
    base = jnp.minimum(wid * _CH, _K - _CH)
    pltpu.sync_copy(idx_hbm.at[pl.ds(base, _SUB)], idxv.at[0])
    pltpu.sync_copy(idx_hbm.at[pl.ds(base + _SUB, _SUB)], idxv.at[1])
    pltpu.sync_copy(x_hbm.at[pl.ds(base, _CH)], xv)
    cp0 = pltpu.async_copy(xv.at[pl.ds(0, _SUB)], out_hbm.at[idxv.at[0]], sem)
    cp1 = pltpu.async_copy(xv.at[pl.ds(_SUB, _SUB)], out_hbm.at[idxv.at[1]], sem)
    cp0.wait()
    cp1.wait()


_mesh = plsc.VectorSubcoreMesh(
    core_axis_name="c", subcore_axis_name="s", num_cores=_NC, num_subcores=_NS
)
_scatter = _mpmd._mpmd_map(
    [(_mesh, _scatter_body)],
    jax.ShapeDtypeStruct((_N, _D), jnp.float32),
    input_output_aliases={0: 0},
    scratch_types=[
        pltpu.VMEM((2, _SUB), jnp.int32),
        pltpu.VMEM((_CH, _D), jnp.float32),
        pltpu.SemaphoreType.DMA,
    ],
    cost_estimate=pl.CostEstimate(
        flops=0, bytes_accessed=400 * 1024 * 1024, transcendentals=0
    ),
)


_CPROWS = 400


def _copy_body(a_ref, out_ref):
    out_ref[...] = a_ref[...]


_copy = pl.pallas_call(
    _copy_body,
    grid=(_N // _CPROWS,),
    in_specs=[pl.BlockSpec((_CPROWS, _N), lambda i: (i, 0))],
    out_specs=pl.BlockSpec((_CPROWS, _N), lambda i: (i, 0)),
    out_shape=jax.ShapeDtypeStruct((_N, _N), jnp.float32),
    compiler_params=pltpu.CompilerParams(vmem_limit_bytes=192 * 1024 * 1024),
)


def kernel(A, X, idx):
    zeros = jnp.zeros((A.shape[0], X.shape[1]), dtype=X.dtype)
    new_X = _scatter(zeros, X, idx.astype(jnp.int32))
    return (_copy(A), new_X)

# --- scband reference (transcript-rebuilt; emitter-appended) ---
"""Pipeline reference for scband-graph-unpool-4861902979236 (READ-ONLY COPY).

The authoritative reference and input builder live on the scoring server;
editing this copy changes nothing except your own understanding.
"""

import jax, jax.numpy as jnp
import numpy as np

N = 10000
K = 5000
D = 512

def setup_inputs(seed: int = 0) -> dict:
    key = jax.random.key(seed)
    k1, k2 = jax.random.split(key)
    A = jax.random.normal(k1, (N, N), dtype=jnp.float32)
    X = jax.random.normal(k2, (K, D), dtype=jnp.float32)
    idx = jnp.arange(K)  # unpool indices, unique, values < N
    return {"A": A, "X": X, "idx": idx}

def reference(A, X, idx):
    # GraphUnpool.forward: new_X = zeros([N, d]); new_X[idx] = X; return (A, new_X)
    new_X = jnp.zeros((A.shape[0], X.shape[1]), dtype=X.dtype).at[idx].set(X)
    return (A, new_X)

if __name__ == "__main__":
    import jax
    _d = setup_inputs()
    print(jax.jit(kernel)(*tuple(_d.values())))

</pallas_src>

<mosaic_0001>
#map = affine_map<(d0, d1) -> (0, 0)>
#map1 = affine_map<(d0, d1) -> (0)>
module attributes {stable_mosaic.version = 14 : i64} {
  func.func @_scatter_body(%arg0: i32, %arg1: i32, %arg2: memref<10000x512xf32, #tpu.memory_space<hbm>>, %arg3: memref<5000x512xf32, #tpu.memory_space<hbm>>, %arg4: memref<5000xi32, #tpu.memory_space<hbm>>, %arg5: memref<10000x512xf32, #tpu.memory_space<hbm>>, %arg6: memref<2x80xi32, #tpu.memory_space<vmem>>, %arg7: memref<160x512xf32, #tpu.memory_space<vmem>>, %arg8: memref<!tpu.dma_semaphore, #tpu.memory_space<semaphore_mem>>) attributes {dimension_semantics = [#tpu.dimension_semantics<core_parallel>, #tpu.dimension_semantics<subcore_parallel>], iteration_bounds = array<i64: 2, 16>, scalar_prefetch = 0 : i64, scratch_operands = 3 : i64, tpu.core_type = #tpu.core_type<sc_vector_subcore>, window_params = [{transform_indices = #map}, {transform_indices = #map}, {transform_indices = #map1}, {transform_indices = #map}]} {
    %mul3A = arith.constant 2 : i32
    %mul3A_0 = arith.muli %arg1, %mul3A : i32
    %add3A = arith.addi %mul3A_0, %arg0 : i32
    %mul3A_1 = arith.constant 160 : i32
    %mul3A_2 = arith.muli %add3A, %mul3A_1 : i32
    %min3A = arith.constant 4840 : i32
    %min3A_3 = arith.minsi %mul3A_2, %min3A : i32
    %run_scoped3A = arith.constant 0 : i32
    "tpu.region"() ({
      %run_scoped3A_45 = tpu.sem_alloc : memref<!tpu.dma_semaphore, #tpu.memory_space<semaphore_mem>>
      %dma_start3A_46 = arith.constant 0 : i32
      %dma_start3A_47 = tpu.memref_slice %arg6[%run_scoped3A, %dma_start3A_46] : memref<2x80xi32, #tpu.memory_space<vmem>> -> memref<1x80xi32, #tpu.memory_space<vmem>>
      %dma_start3A_48 = tpu.memref_squeeze %dma_start3A_47 : memref<1x80xi32, #tpu.memory_space<vmem>> -> memref<80xi32, #tpu.memory_space<vmem>>
      %dma_start3A_49 = tpu.memref_slice %arg4[%min3A_3] : memref<5000xi32, #tpu.memory_space<hbm>> -> memref<80xi32, #tpu.memory_space<hbm>>
      %dma_start3A_50 = arith.constant 0 : i32
      %dma_start3A_51 = tpu.memref_slice %arg6[%run_scoped3A, %dma_start3A_50] : memref<2x80xi32, #tpu.memory_space<vmem>> -> memref<1x80xi32, #tpu.memory_space<vmem>>
      %dma_start3A_52 = tpu.memref_squeeze %dma_start3A_51 : memref<1x80xi32, #tpu.memory_space<vmem>> -> memref<80xi32, #tpu.memory_space<vmem>>
      %dma_start3A_53 = tpu.memref_slice %arg4[%min3A_3] : memref<5000xi32, #tpu.memory_space<hbm>> -> memref<80xi32, #tpu.memory_space<hbm>>
      tpu.enqueue_dma source(%dma_start3A_53 : memref<80xi32, #tpu.memory_space<hbm>>) target(%dma_start3A_52 : memref<80xi32, #tpu.memory_space<vmem>>) target_semaphore(%run_scoped3A_45 : memref<!tpu.dma_semaphore, #tpu.memory_space<semaphore_mem>>)
      %dma_wait3A_54 = arith.constant 0 : i32
      %dma_wait3A_55 = tpu.memref_slice %arg6[%run_scoped3A, %dma_wait3A_54] : memref<2x80xi32, #tpu.memory_space<vmem>> -> memref<1x80xi32, #tpu.memory_space<vmem>>
      %dma_wait3A_56 = tpu.memref_squeeze %dma_wait3A_55 : memref<1x80xi32, #tpu.memory_space<vmem>> -> memref<80xi32, #tpu.memory_space<vmem>>
      %dma_wait3A_57 = tpu.memref_slice %arg4[%min3A_3] : memref<5000xi32, #tpu.memory_space<hbm>> -> memref<80xi32, #tpu.memory_space<hbm>>
      %dma_wait3A_58 = arith.constant 0 : i32
      %dma_wait3A_59 = tpu.memref_slice %arg6[%run_scoped3A, %dma_wait3A_58] : memref<2x80xi32, #tpu.memory_space<vmem>> -> memref<1x80xi32, #tpu.memory_space<vmem>>
      %dma_wait3A_60 = tpu.memref_squeeze %dma_wait3A_59 : memref<1x80xi32, #tpu.memory_space<vmem>> -> memref<80xi32, #tpu.memory_space<vmem>>
      %dma_wait3A_61 = tpu.memref_slice %arg4[%min3A_3] : memref<5000xi32, #tpu.memory_space<hbm>> -> memref<80xi32, #tpu.memory_space<hbm>>
      tpu.wait_dma2 semaphore(%run_scoped3A_45 : memref<!tpu.dma_semaphore, #tpu.memory_space<semaphore_mem>>) src(%dma_wait3A_61 : memref<80xi32, #tpu.memory_space<hbm>>) dst(%dma_wait3A_60 : memref<80xi32, #tpu.memory_space<vmem>>)
      tpu.yield
    }) : () -> ()
    %add3A_4 = arith.constant 80 : i32
    %add3A_5 = arith.addi %min3A_3, %add3A_4 : i32
    %run_scoped3A_6 = arith.constant 1 : i32
    "tpu.region"() ({
      %run_scoped3A_45 = tpu.sem_alloc : memref<!tpu.dma_semaphore, #tpu.memory_space<semaphore_mem>>
      %dma_start3A_46 = arith.constant 0 : i32
      %dma_start3A_47 = tpu.memref_slice %arg6[%run_scoped3A_6, %dma_start3A_46] : memref<2x80xi32, #tpu.memory_space<vmem>> -> memref<1x80xi32, #tpu.memory_space<vmem>>
      %dma_start3A_48 = tpu.memref_squeeze %dma_start3A_47 : memref<1x80xi32, #tpu.memory_space<vmem>> -> memref<80xi32, #tpu.memory_space<vmem>>
      %dma_start3A_49 = tpu.memref_slice %arg4[%add3A_5] : memref<5000xi32, #tpu.memory_space<hbm>> -> memref<80xi32, #tpu.memory_space<hbm>>
      %dma_start3A_50 = arith.constant 0 : i32
      %dma_start3A_51 = tpu.memref_slice %arg6[%run_scoped3A_6, %dma_start3A_50] : memref<2x80xi32, #tpu.memory_space<vmem>> -> memref<1x80xi32, #tpu.memory_space<vmem>>
      %dma_start3A_52 = tpu.memref_squeeze %dma_start3A_51 : memref<1x80xi32, #tpu.memory_space<vmem>> -> memref<80xi32, #tpu.memory_space<vmem>>
      %dma_start3A_53 = tpu.memref_slice %arg4[%add3A_5] : memref<5000xi32, #tpu.memory_space<hbm>> -> memref<80xi32, #tpu.memory_space<hbm>>
      tpu.enqueue_dma source(%dma_start3A_53 : memref<80xi32, #tpu.memory_space<hbm>>) target(%dma_start3A_52 : memref<80xi32, #tpu.memory_space<vmem>>) target_semaphore(%run_scoped3A_45 : memref<!tpu.dma_semaphore, #tpu.memory_space<semaphore_mem>>)
      %dma_wait3A_54 = arith.constant 0 : i32
      %dma_wait3A_55 = tpu.memref_slice %arg6[%run_scoped3A_6, %dma_wait3A_54] : memref<2x80xi32, #tpu.memory_space<vmem>> -> memref<1x80xi32, #tpu.memory_space<vmem>>
      %dma_wait3A_56 = tpu.memref_squeeze %dma_wait3A_55 : memref<1x80xi32, #tpu.memory_space<vmem>> -> memref<80xi32, #tpu.memory_space<vmem>>
      %dma_wait3A_57 = tpu.memref_slice %arg4[%add3A_5] : memref<5000xi32, #tpu.memory_space<hbm>> -> memref<80xi32, #tpu.memory_space<hbm>>
      %dma_wait3A_58 = arith.constant 0 : i32
      %dma_wait3A_59 = tpu.memref_slice %arg6[%run_scoped3A_6, %dma_wait3A_58] : memref<2x80xi32, #tpu.memory_space<vmem>> -> memref<1x80xi32, #tpu.memory_space<vmem>>
      %dma_wait3A_60 = tpu.memref_squeeze %dma_wait3A_59 : memref<1x80xi32, #tpu.memory_space<vmem>> -> memref<80xi32, #tpu.memory_space<vmem>>
      %dma_wait3A_61 = tpu.memref_slice %arg4[%add3A_5] : memref<5000xi32, #tpu.memory_space<hbm>> -> memref<80xi32, #tpu.memory_space<hbm>>
      tpu.wait_dma2 semaphore(%run_scoped3A_45 : memref<!tpu.dma_semaphore, #tpu.memory_space<semaphore_mem>>) src(%dma_wait3A_61 : memref<80xi32, #tpu.memory_space<hbm>>) dst(%dma_wait3A_60 : memref<80xi32, #tpu.memory_space<vmem>>)
      tpu.yield
    }) : () -> ()
    "tpu.region"() ({
      %run_scoped3A_45 = tpu.sem_alloc : memref<!tpu.dma_semaphore, #tpu.memory_space<semaphore_mem>>
      %dma_start3A_46 = arith.constant 0 : i32
      %dma_start3A_47 = tpu.memref_slice %arg3[%min3A_3, %dma_start3A_46] : memref<5000x512xf32, #tpu.memory_space<hbm>> -> memref<160x512xf32, #tpu.memory_space<hbm>>
      %dma_start3A_48 = arith.constant 0 : i32
      %dma_start3A_49 = tpu.memref_slice %arg3[%min3A_3, %dma_start3A_48] : memref<5000x512xf32, #tpu.memory_space<hbm>> -> memref<160x512xf32, #tpu.memory_space<hbm>>
      tpu.enqueue_dma source(%dma_start3A_49 : memref<160x512xf32, #tpu.memory_space<hbm>>) target(%arg7 : memref<160x512xf32, #tpu.memory_space<vmem>>) target_semaphore(%run_scoped3A_45 : memref<!tpu.dma_semaphore, #tpu.memory_space<semaphore_mem>>)
      %dma_wait3A_50 = arith.constant 0 : i32
      %dma_wait3A_51 = tpu.memref_slice %arg3[%min3A_3, %dma_wait3A_50] : memref<5000x512xf32, #tpu.memory_space<hbm>> -> memref<160x512xf32, #tpu.memory_space<hbm>>
      %dma_wait3A_52 = arith.constant 0 : i32
      %dma_wait3A_53 = tpu.memref_slice %arg3[%min3A_3, %dma_wait3A_52] : memref<5000x512xf32, #tpu.memory_space<hbm>> -> memref<160x512xf32, #tpu.memory_space<hbm>>
      tpu.wait_dma2 semaphore(%run_scoped3A_45 : memref<!tpu.dma_semaphore, #tpu.memory_space<semaphore_mem>>) src(%dma_wait3A_53 : memref<160x512xf32, #tpu.memory_space<hbm>>) dst(%arg7 : memref<160x512xf32, #tpu.memory_space<vmem>>)
      tpu.yield
    }) : () -> ()
    %dma_start3A = arith.constant 0 : i32
    %dma_start3A_7 = arith.constant 0 : i32
    %dma_start3A_8 = arith.constant 0 : i32
    %dma_start3A_9 = tpu.memref_slice %arg7[%dma_start3A_7, %dma_start3A_8] : memref<160x512xf32, #tpu.memory_space<vmem>> -> memref<80x512xf32, #tpu.memory_space<vmem>>
    %dma_start3A_10 = arith.constant 0 : i32
    %dma_start3A_11 = tpu.memref_slice %arg6[%dma_start3A, %dma_start3A_10] : memref<2x80xi32, #tpu.memory_space<vmem>> -> memref<1x80xi32, #tpu.memory_space<vmem>>
    %dma_start3A_12 = tpu.memref_squeeze %dma_start3A_11 : memref<1x80xi32, #tpu.memory_space<vmem>> -> memref<80xi32, #tpu.memory_space<vmem>>
    %dma_start3A_13 = arith.constant 0 : i32
    %dma_start3A_14 = arith.constant 0 : i32
    %dma_start3A_15 = tpu.memref_slice %arg5[%dma_start3A_13, %dma_start3A_14] : memref<10000x512xf32, #tpu.memory_space<hbm>> -> memref<10000x512xf32, #tpu.memory_space<hbm>>
    tpu.enqueue_indirect_dma source(%dma_start3A_9 : memref<80x512xf32, #tpu.memory_space<vmem>>) target(%dma_start3A_15 : memref<10000x512xf32, #tpu.memory_space<hbm>>) offsets(%dma_start3A_12 : memref<80xi32, #tpu.memory_space<vmem>>) semaphore(%arg8 : memref<!tpu.dma_semaphore, #tpu.memory_space<semaphore_mem>>)
    %dma_start3A_16 = arith.constant 1 : i32
    %dma_start3A_17 = arith.constant 80 : i32
    %dma_start3A_18 = arith.constant 0 : i32
    %dma_start3A_19 = tpu.memref_slice %arg7[%dma_start3A_17, %dma_start3A_18] : memref<160x512xf32, #tpu.memory_space<vmem>> -> memref<80x512xf32, #tpu.memory_space<vmem>>
    %dma_start3A_20 = arith.constant 0 : i32
    %dma_start3A_21 = tpu.memref_slice %arg6[%dma_start3A_16, %dma_start3A_20] : memref<2x80xi32, #tpu.memory_space<vmem>> -> memref<1x80xi32, #tpu.memory_space<vmem>>
    %dma_start3A_22 = tpu.memref_squeeze %dma_start3A_21 : memref<1x80xi32, #tpu.memory_space<vmem>> -> memref<80xi32, #tpu.memory_space<vmem>>
    %dma_start3A_23 = arith.constant 0 : i32
    %dma_start3A_24 = arith.constant 0 : i32
    %dma_start3A_25 = tpu.memref_slice %arg5[%dma_start3A_23, %dma_start3A_24] : memref<10000x512xf32, #tpu.memory_space<hbm>> -> memref<10000x512xf32, #tpu.memory_space<hbm>>
    tpu.enqueue_indirect_dma source(%dma_start3A_19 : memref<80x512xf32, #tpu.memory_space<vmem>>) target(%dma_start3A_25 : memref<10000x512xf32, #tpu.memory_space<hbm>>) offsets(%dma_start3A_22 : memref<80xi32, #tpu.memory_space<vmem>>) semaphore(%arg8 : memref<!tpu.dma_semaphore, #tpu.memory_space<semaphore_mem>>)
    %dma_wait3A = arith.constant 0 : i32
    %dma_wait3A_26 = arith.constant 0 : i32
    %dma_wait3A_27 = arith.constant 0 : i32
    %dma_wait3A_28 = tpu.memref_slice %arg7[%dma_wait3A_26, %dma_wait3A_27] : memref<160x512xf32, #tpu.memory_space<vmem>> -> memref<80x512xf32, #tpu.memory_space<vmem>>
    %dma_wait3A_29 = arith.constant 0 : i32
    %dma_wait3A_30 = tpu.memref_slice %arg6[%dma_wait3A, %dma_wait3A_29] : memref<2x80xi32, #tpu.memory_space<vmem>> -> memref<1x80xi32, #tpu.memory_space<vmem>>
    %dma_wait3A_31 = tpu.memref_squeeze %dma_wait3A_30 : memref<1x80xi32, #tpu.memory_space<vmem>> -> memref<80xi32, #tpu.memory_space<vmem>>
    %dma_wait3A_32 = arith.constant 0 : i32
    %dma_wait3A_33 = arith.constant 0 : i32
    %dma_wait3A_34 = tpu.memref_slice %arg5[%dma_wait3A_32, %dma_wait3A_33] : memref<10000x512xf32, #tpu.memory_space<hbm>> -> memref<10000x512xf32, #tpu.memory_space<hbm>>
    tpu.wait_indirect_dma semaphore(%arg8 : memref<!tpu.dma_semaphore, #tpu.memory_space<semaphore_mem>>) src(%dma_wait3A_28 : memref<80x512xf32, #tpu.memory_space<vmem>>) dst(%dma_wait3A_34 : memref<10000x512xf32, #tpu.memory_space<hbm>>)
    %dma_wait3A_35 = arith.constant 1 : i32
    %dma_wait3A_36 = arith.constant 80 : i32
    %dma_wait3A_37 = arith.constant 0 : i32
    %dma_wait3A_38 = tpu.memref_slice %arg7[%dma_wait3A_36, %dma_wait3A_37] : memref<160x512xf32, #tpu.memory_space<vmem>> -> memref<80x512xf32, #tpu.memory_space<vmem>>
    %dma_wait3A_39 = arith.constant 0 : i32
    %dma_wait3A_40 = tpu.memref_slice %arg6[%dma_wait3A_35, %dma_wait3A_39] : memref<2x80xi32, #tpu.memory_space<vmem>> -> memref<1x80xi32, #tpu.memory_space<vmem>>
    %dma_wait3A_41 = tpu.memref_squeeze %dma_wait3A_40 : memref<1x80xi32, #tpu.memory_space<vmem>> -> memref<80xi32, #tpu.memory_space<vmem>>
    %dma_wait3A_42 = arith.constant 0 : i32
    %dma_wait3A_43 = arith.constant 0 : i32
    %dma_wait3A_44 = tpu.memref_slice %arg5[%dma_wait3A_42, %dma_wait3A_43] : memref<10000x512xf32, #tpu.memory_space<hbm>> -> memref<10000x512xf32, #tpu.memory_space<hbm>>
    tpu.wait_indirect_dma semaphore(%arg8 : memref<!tpu.dma_semaphore, #tpu.memory_space<semaphore_mem>>) src(%dma_wait3A_38 : memref<80x512xf32, #tpu.memory_space<vmem>>) dst(%dma_wait3A_44 : memref<10000x512xf32, #tpu.memory_space<hbm>>)
    return
  }
}

module attributes {stable_mosaic.version = 14 : i64} {
  func.func @_copy_body(%arg0: i32, %arg1: memref<400x10000xf32, #tpu.memory_space<vmem>>, %arg2: memref<400x10000xf32, #tpu.memory_space<vmem>>) attributes {dimension_semantics = [#tpu.dimension_semantics<arbitrary>], iteration_bounds = array<i64: 25>, scalar_prefetch = 0 : i64, scratch_operands = 0 : i64, tpu.core_type = #tpu.core_type<tc>, window_params = [{transform_indices = @transform_0, window_bounds = array<i64: 400, 10000>}, {transform_indices = @transform_1, window_bounds = array<i64: 400, 10000>}]} {
    %get3A = arith.constant 0 : index
    %get3A_0 = arith.constant 0 : index
    %get3A_1 = vector.load %arg1[%get3A, %get3A_0] : memref<400x10000xf32, #tpu.memory_space<vmem>>, vector<400x10000xf32>
    %swap3A = arith.constant 0 : index
    %swap3A_2 = arith.constant 0 : index
    %swap3A_3 = vector.load %arg2[%swap3A, %swap3A_2] : memref<400x10000xf32, #tpu.memory_space<vmem>>, vector<400x10000xf32>
    tpu.vector_store %arg2[%swap3A, %swap3A_2], %get3A_1 {strides = array<i32>} : memref<400x10000xf32, #tpu.memory_space<vmem>>, vector<400x10000xf32>,
    return
  }
  func.func @transform_0(%arg0: i32) -> (i32, i32) {
    %c0_i32 = arith.constant 0 : i32
    %c0_i32_0 = arith.constant 0 : i32
    return %arg0, %c0_i32 : i32, i32
  }
  func.func @transform_1(%arg0: i32) -> (i32, i32) {
    %c0_i32 = arith.constant 0 : i32
    %c0_i32_0 = arith.constant 0 : i32
    return %arg0, %c0_i32 : i32, i32
  }
}

</mosaic_0001>

<sc_bundles>
// kernel: kernel.4.cloned.1.call-start
scs
__scs_entry_jumppad:
0x0: {  	(pc) =	sbr.rel $0x88, $3  }
0x1: {  	(tag) =	ssettag $0x0;
	lr =	simm.s32 $0x1  }
0x2: {  	[smem:$0x3F9E] =	sst lr;
	_ =	strace $0xD0000000  }
0x3: {  	_ = 	snop  }
0x4: {  	_ = 	snop  }
0x5: {  	_ = 	snop  }
0x6: {  	_ = 	snop  }
0x7: {  	_ = 	snop  }
__scs_overlays_trampoline_lowered:
0x8: {  	[smem:$0x3FAD] =	sst s0  }
0x9: {  	[smem:$0x3FAE] =	sst s1  }
0xa: {  	[smem:$0x3FAF] =	sst s2  }
0xb: {  	[smem:$0x3FB0] =	sst s3  }
0xc: {  	[smem:$0x3FB1] =	sst s4  }
0xd: {  	[smem:$0x3FB2] =	sst s5  }
0xe: {  	[smem:$0x3FB3] =	sst s6  }
0xf: {  	[smem:$0x3FB4] =	sst s7  }
0x10: {  	[smem:$0x3FB5] =	sst s8  }
0x11: {  	[smem:$0x3FB6] =	sst s9;
	s0 =	simm.s32 @!p0 $0x0  }
0x12: {  	s1 =	sld [smem:$0x3F9C];
	s0 =	simm.s32 @p0 $0x1  }
0x13: {  	[smem:$0x3FB7] =	sst s0;
	s0 =	simm.s32 @!p1 $0x0  }
0x14: {  	s2 =	sld [smem:$0x3F9B];
	s0 =	simm.s32 @p1 $0x1  }
0x15: {  	[smem:$0x3FB8] =	sst s0;
	s0 =	simm.s32 @!p2 $0x0  }
0x16: {  	s3 =	sld [smem:$0x3FDB];
	s0 =	simm.s32 @p2 $0x1  }
0x17: {  	s4 =	simm.s32 $0x1BF5;
	[smem:$0x3FBA] =	sst s0  }
0x18: {  	s0 =	sld [smem:$0x3F9D];
	_ =	swait.ge [sflag:s4], $0x0  }
0x19: {  	s7 =	sld [smem:$0x3F9E]  }
0x1a: {  	s8 =	sadd.s32 $0xFFFFE003, lr  }
0x1b: {  	s9 =	sadd.s32 $0xFFFFFEF7, lr;
	s5 =	simm.s32 $0xFFFFFFFF;
	p2 =	slt.u32 s8, $0xFFFFF086  }
0x1c: {  	p1 =	slt.u32 s9, $0xF7A;
	s5 =	simm.s32 @!p2 $0x0  }
0x1d: {  	s5 =	simm.s32 @p1 $0x1;
	p0 =	seq.s32 s7, s2  }
0x1e: {  	s7 =	smul.u32 @!p0 $0xF7A, s2;
	p2 =	seq.s32 @!p0 s5, $0x0  }
0x1f: {  	s9 =	smul.u32 $0xF7A, s1;
	s8 =	simm.s32 @!p0 $0x1BF5;
	p2 =	por !p2, p0  }
0x20: {  	[sflag:s8] =	ssyncset.s32 @!p0 $0xFFFFF086;
	s6 =	sadd.s32 @!p0 s3, s7;
	s7 =	simm.s32 @!p0 $0x108  }
0x21: {  	s3 =	sadd.s32 s3, s9;
	s6 =	sadd.s32 @!p0 $0x88, s6;
	s7 =	simm.s32 @p2 $0x1082  }
0x22: {  	[simem:s7], [sflag:s8] =	dma.local @!p0 [hbm:s6], $0xF7A  }
0x23: {  	s9 =	sor.u32 $0xD0000000, s2;
	s6 =	simm.s32 $0x108;
	_ =	swait.ge @!p0 [sflag:s8], $0x0  }
0x24: {  	s3 =	sadd.s32 $0x88, s3;
	s6 =	simm.s32 @!p1 $0x1082;
	[sflag:s4] =	ssyncset.s32 $0xFFFFF086  }
0x25: {  	[simem:s6], [sflag:s4] =	dma.local [hbm:s3], $0xF7A  }
0x26: {  	[smem:$0x3F9E] =	sst s1;
	(tag) =	ssettag s2;
	_ =	strace s9  }
0x27: {  	s1 =	sld [smem:$0x3FAE]  }
0x28: {  	s2 =	sld [smem:$0x3FAF]  }
0x29: {  	s4 =	sld [smem:$0x3FB1]  }
0x2a: {  	p0 =	seq.s32 s5, $0x0;
	s5 =	sld [smem:$0x3FB2]  }
0x2b: {  	s6 =	sld [smem:$0x3FB3]  }
0x2c: {  	s7 =	sld [smem:$0x3FB4]  }
0x2d: {  	s3 =	simm.s32 $0x108;
	s8 =	sld [smem:$0x3FB5]  }
0x2e: {  	s3 =	simm.s32 @!p0 $0x1082;
	s9 =	sld [smem:$0x3FB6]  }
0x2f: {  	lr =	sadd.s32 s0, s3;
	s0 =	sld [smem:$0x3FAD]  }
0x30: {  	s3 =	sld [smem:$0x3FB0]  }
0x31: {  	[smem:$0x3FB9] =	sst s10  }
0x32: {  	s10 =	sld [smem:$0x3FB7];
	_ =	sdelay $0x3  }
0x33: {  	p0 =	seq.s32 s10, $0x1;
	s10 =	sld [smem:$0x3FB9];
	_ =	sdelay $0x3  }
0x34: {  	[smem:$0x3FB9] =	sst s10  }
0x35: {  	s10 =	sld [smem:$0x3FB8];
	_ =	sdelay $0x3  }
0x36: {  	p1 =	seq.s32 s10, $0x1;
	s10 =	sld [smem:$0x3FB9];
	_ =	sdelay $0x3  }
0x37: {  	[smem:$0x3FB9] =	sst s10  }
0x38: {  	s10 =	sld [smem:$0x3FBA]  }
0x39: {  	_ = 	snop;
	(pc) =	sbr.ind lr, $3  }
0x3a: {  	_ = 	snop  }
0x3b: {  	_ = 	snop  }
0x3c: {  	p2 =	seq.s32 s10, $0x1;
	s10 =	sld [smem:$0x3FB9]  }
0x3d: {  	_ =	shalt  }
0x3e: {  	_ =	shalt  }
0x3f: {  	_ =	shalt  }
0x40: {  	_ =	shalt  }
0x41: {  	_ =	shalt  }
0x42: {  	_ =	shalt  }
0x43: {  	_ =	shalt  }
0x44: {  	_ =	shalt  }
0x45: {  	_ =	shalt  }
0x46: {  	_ =	shalt  }
0x47: {  	_ =	shalt  }
0x48: {  	_ =	shalt  }
0x49: {  	_ =	shalt  }
0x4a: {  	_ =	shalt  }
0x4b: {  	_ =	shalt  }
0x4c: {  	_ =	shalt  }
0x4d: {  	_ =	shalt  }
0x4e: {  	_ =	shalt  }
0x4f: {  	_ =	shalt  }
0x50: {  	_ =	shalt  }
0x51: {  	_ =	shalt  }
0x52: {  	_ =	shalt  }
0x53: {  	_ =	shalt  }
0x54: {  	_ =	shalt  }
0x55: {  	_ =	shalt  }
0x56: {  	_ =	shalt  }
0x57: {  	_ =	shalt  }
0x58: {  	_ =	shalt  }
0x59: {  	_ =	shalt  }
0x5a: {  	_ =	shalt  }
0x5b: {  	_ =	shalt  }
0x5c: {  	_ =	shalt  }
0x5d: {  	_ =	shalt  }
0x5e: {  	_ =	shalt  }
0x5f: {  	_ =	shalt  }
0x60: {  	_ =	shalt  }
0x61: {  	_ =	shalt  }
0x62: {  	_ =	shalt  }
0x63: {  	_ =	shalt  }
0x64: {  	_ =	shalt  }
0x65: {  	_ =	shalt  }
0x66: {  	_ =	shalt  }
0x67: {  	_ =	shalt  }
0x68: {  	_ =	shalt  }
0x69: {  	_ =	shalt  }
0x6a: {  	_ =	shalt  }
0x6b: {  	_ =	shalt  }
0x6c: {  	_ =	shalt  }
0x6d: {  	_ =	shalt  }
0x6e: {  	_ =	shalt  }
0x6f: {  	_ =	shalt  }
0x70: {  	_ =	shalt  }
0x71: {  	_ =	shalt  }
0x72: {  	_ =	shalt  }
0x73: {  	_ =	shalt  }
0x74: {  	_ =	shalt  }
0x75: {  	_ =	shalt  }
0x76: {  	_ =	shalt  }
0x77: {  	_ =	shalt  }
0x78: {  	_ =	shalt  }
0x79: {  	_ =	shalt  }
0x7a: {  	_ =	shalt  }
0x7b: {  	_ =	shalt  }
0x7c: {  	_ =	shalt  }
0x7d: {  	_ =	shalt  }
0x7e: {  	_ =	shalt  }
0x7f: {  	_ =	shalt  }
0x80: {  	_ =	shalt  }
0x81: {  	_ =	shalt  }
0x82: {  	_ =	shalt  }
0x83: {  	_ =	shalt  }
0x84: {  	_ =	shalt  }
0x85: {  	_ =	shalt  }
0x86: {  	_ =	shalt  }
0x87: {  	_ =	shalt  }
.Lfunc_end0:
.L_simem_size_0:
called_computation_lowered:
.L_overlay_start_0:
0x88: {  	s2 =	sld [smem:$0x3FD9]  }
0x89: {  	s3 =	sld [smem:$0x3FFE];
	_ =	sdelay $0x1  }
0x8a: {  	s1 =	srdreg.scid  }
0x8b: {  	s0 =	sand.u32 $0x1, s1  }
0x8c: {  	s15 =	sshll.u32 s0, $0xA;
	s2 =	sadd.s32 s3, s2  }
0x8d: {  	s2 =	sadd.s32 s2, s15  }
0x8e: {  	[smem:$0x3FC5] =	sst s2  }
0x8f: {  	_ = 	snop  }
0x90: {  	s2 =	sld [smem:$0x3FD0];
	_ =	sdelay $0x1  }
0x91: {  	s16 =	sld [smem:$0x3FC8]  }
0x92: {  	s5 =	simm.s32 $0xA;
	s6 =	simm.s32 $0x10;
	s4 =	sld [smem:$0x3FC7]  }
0x93: {  	[smem:s6], [sflag:s5] =	dma.local [hbm:s2], $0x1  }
0x94: {  	_ =	swait.eq [sflag:s5], $0x1  }
0x95: {  	[sflag:s5] =	ssyncset.done $0x0  }
0x96: {  	[sflag:s5] =	ssyncadd.s32 $0xFFFFFFFF  }
0x97: {  	s17 =	sld [smem:$0x11];
	(tm) =	ssettm $0x1  }
0x98: {  	s18 =	sld [smem:$0x3FFB];
	_ =	sdelay $0x3  }
0x99: {  	_ =	strace s18  }
0x9a: {  	s5 =	sld [smem:$0x3FFC];
	_ =	sdelay $0x3  }
0x9b: {  	_ =	strace s5  }
0x9c: {  	s5 =	sld [smem:$0x3FFD];
	_ =	sdelay $0x3  }
0x9d: {  	_ =	strace s5  }
0x9e: {  	_ =	strace $0x8FFFFFFF  }
0x9f: {  	s19 =	sld [smem:$0x3FDB];
	_ =	sdelay $0x1  }
0xa0: {  	s20 =	simm.s32 $_scs_section_size  }
0xa1: {  	s7 =	simm.s32 $_size__tile_overlayer_lowered;
	s8 =	simm.s32 $_tile_overlayer_lowered  }
0xa2: {  	s23 =	simm.s32 $0x1BFF;
	s22 =	sshll.u32 s8, $0x1;
	s5 =	sadd.s32 s20, s19  }
0xa3: {  	s9 =	simm.s32 $0x0;
	s21 =	sshll.u32 s7, $0x1;
	s7 =	sadd.s32 s22, s5  }
0xa4: {  	[timem:s9], [sflag:s23] =	dma.local [hbm:s7], s21  }
0xa5: {  	_ =	swait.ge [sflag:s23], s21  }
0xa6: {  	s6 =	ssub.s32 $0x0, s21;
	[sflag:s23] =	ssyncset.done $0x0  }
0xa7: {  	[sflag:s23] =	ssyncadd.s32 s6;
	_ =	sdelay $0x1  }
0xa8: {  	s24 =	simm.s32 $0x1B8B  }
0xa9: {  	_ =	swait.ge [sflag:s24], $0x1  }
0xaa: {  	[sflag:s24] =	ssyncset.done $0x0  }
0xab: {  	s25 =	simm.s32 $0x1B8E;
	[sflag:s24] =	ssyncadd.s32 $0xFFFFFFFF  }
0xac: {  	s26 =	simm.s32 $execute0_lowered;
	[smem:$0x3FD2] =	sst s25  }
0xad: {  	s6 =	sshll.u32 s26, $0x1;
	_ =	strace $0x80000046;
	[dreg:$0x1] =	wrdreg $0xFFFFFFFF  }
0xae: {  	s28 =	simm.s32 $_size_execute0_lowered;
	s5 =	sadd.s32 s5, s6;
	[dreg:$0x0] =	wrdreg $0x0  }
0xaf: {  	s6 =	sshll.u32 s28, $0x1;
	[dreg:$0x2] =	wrdreg s5  }
0xb0: {  	[dreg:$0x3] =	wrdreg s6  }
0xb1: {  	[dreg:$0x4] =	wrdreg $0xC0  }
0xb2: {  	_ =	task [dreg:s9], $0x5FFFF  }
0xb3: {  	[dreg:$0x1] =	wrdreg $0xFFFFFFFF  }
0xb4: {  	[dreg:$0x0] =	wrdreg $0x60  }
0xb5: {  	[dreg:$0x2] =	wrdreg s16  }
0xb6: {  	[dreg:$0x3] =	wrdreg s4  }
0xb7: {  	[dreg:$0x4] =	wrdreg s17  }
0xb8: {  	[dreg:$0x5] =	wrdreg $0x9  }
0xb9: {  	_ =	task.clear_ibuf [dreg:s9], $0x6FFFF;
	_ =	strace $0x90000046  }
0xba: {  	s29 =	simm.s32 $0x9;
	_ =	strace $0x80000048  }
0xbb: {  	_ =	swait.ge [sflag:s29], $0x1  }
0xbc: {  	[sflag:s29] =	ssyncadd.s32 $0xFFFFFFFF  }
0xbd: {  	_ =	strace $0x90000048  }
0xbe: {  	_ =	sfence  }
0xbf: {  	s30 =	sld [smem:$0x0];
	_ =	sdelay $0x2  }
0xc0: {  	s31 =	sshll.u32 s1, $0xD;
	s1 =	sshrl.u32 s1, $0x2  }
0xc1: {  	s3 =	sand.u32 $0x4000, s31;
	s1 =	sadd.s32 s1, s30  }
0xc2: {  	s0 =	sor.u32 s3, s0;
	s1 =	sshll.u32 s1, $0x11  }
0xc3: {  	s0 =	sor.u32 s1, s0  }
0xc4: {  	s0 =	sadd.s32 $0x8F2B, s0  }
0xc5: {  	[sflag:s0] =	ssyncadd.remote.s32 $0x1  }
0xc6: {  	_ =	sfence.sel $0xFFFF  }
0xc7: {  	[dreg:$0x0] =	wrdreg $0xFFFFFFFF;
	(pc) =	sbr.abs _section_cstart, $3  }
0xc8: {  	[dreg:$0x1] =	wrdreg $0xFFFFFFFF  }
0xc9: {  	_ =	task.clear_ibuf [dreg:s9], $0x2FFFF;
	_ =	strace $0x9FFFFFFF  }
0xca: {  	(tm) =	ssettm $0x7FFFFFFF  }
0xcb: {  	_ =	shalt  }
tec
execute0_lowered:
.L_overlay_start_1:
0x0: {  	(tag) =	ssettag $0x1  }
0x1: {  	s1 =	srdreg.scid;
	s0 =	stileid.u32  }
0x2: {  	s1 =	sand.u32 $0x1, s1;
	s2 =	sshll.u32 s0, $0x1  }
0x3: {  	s2 =	sor.u32 s1, s2  }
0x4: {  	s5 =	rddreg [dreg:$0x0];
	s3 =	smul.u32 $0xA0, s2  }
0x5: {  	s4 =	rddreg [dreg:$0x1]  }
0x6: {  	s2 =	rddreg [dreg:$0x2];
	s6 =	smin.u32 s3, $0x12E8;
	s3 =	simm.s32 $0x0  }
0x7: {  	s8 =	simm.s32 $0x80;
	[smem:$0x7FF] =	sst s3  }
0x8: {  	s9 =	simm.s32 $0x900;
	_ =	strace $0x80000047;
	[dreg:$0x6] =	wrdreg s8  }
0x9: {  	s10 =	simm.s32 $0x1100;
	[dreg:$0x7] =	wrdreg s9  }
0xa: {  	s11 =	simm.s32 $0x1900;
	[dreg:$0x8] =	wrdreg s10  }
0xb: {  	s12 =	simm.s32 $0x2100;
	[dreg:$0x9] =	wrdreg s11  }
0xc: {  	s13 =	simm.s32 $0x2900;
	s14 =	simm.s32 $0x3100;
	[dreg:$0xa] =	wrdreg s12  }
0xd: {  	s15 =	simm.s32 $0x3900;
	s16 =	simm.s32 $0x4100;
	[dreg:$0xb] =	wrdreg s13  }
0xe: {  	s17 =	simm.s32 $0x4900;
	s18 =	simm.s32 $0x5100;
	[dreg:$0xc] =	wrdreg s14  }
0xf: {  	s19 =	simm.s32 $0x5900;
	s21 =	simm.s32 $0x6100;
	[dreg:$0xd] =	wrdreg s15  }
0x10: {  	s22 =	simm.s32 $0x6900;
	s23 =	simm.s32 $0x7100;
	[dreg:$0xe] =	wrdreg s16  }
0x11: {  	s24 =	simm.s32 $0x7900;
	s25 =	simm.s32 $0x8100;
	[dreg:$0xf] =	wrdreg s17  }
0x12: {  	s26 =	simm.s32 $0x8900;
	s28 =	simm.s32 $0x12100;
	[dreg:$0x10] =	wrdreg s18  }
0x13: {  	s29 =	simm.s32 $0x12900;
	s1 =	ssub.s32 $0x2, s1;
	[dreg:$0x11] =	wrdreg s19  }
0x14: {  	s30 =	simm.s32 $0x13100;
	s20 =	sshrl.u32 s1, $0x1;
	[dreg:$0x12] =	wrdreg s21  }
0x15: {  	s31 =	simm.s32 $0x13900;
	s1 =	ssub.s32 s1, s20;
	[dreg:$0x13] =	wrdreg s22  }
0x16: {  	s20 =	simm.s32 $0xE900;
	s7 =	sshrl.u32 s6, $0x3;
	[dreg:$0x14] =	wrdreg s23  }
0x17: {  	s6 =	sshll.u32 s6, $0x6;
	s4 =	sadd.s32 s4, s7;
	[dreg:$0x15] =	wrdreg s24  }
0x18: {  	s5 =	sadd.s32 s5, s6;
	s6 =	smax.u32 s1, $0x1;
	[dreg:$0x16] =	wrdreg s25  }
0x19: {  	s8 =	simm.s32 $0x100;
	[dreg:$0x17] =	wrdreg s26;
	s10 =	simm.s32 $0x9900  }
0x1a: {  	s11 =	simm.s32 $0xA100;
	s12 =	simm.s32 $0xA900;
	s13 =	simm.s32 $0xB100  }
0x1b: {  	s14 =	simm.s32 $0xB900;
	s15 =	simm.s32 $0xC100;
	s16 =	simm.s32 $0xC900  }
0x1c: {  	s17 =	simm.s32 $0xD100;
	s18 =	simm.s32 $0xD900;
	s19 =	simm.s32 $0xE100  }
0x1d: {  	s21 =	simm.s32 $0xF100;
	s22 =	simm.s32 $0xF900;
	s23 =	simm.s32 $0x10100  }
0x1e: {  	v2 =	vlaneseq.u32;
	s24 =	simm.s32 $0x10900;
	s25 =	simm.s32 $0x11100;
	s26 =	simm.s32 $0x11900  }
0x1f: {  	vm0 =	vmmov $0xffff;
	v1 =	vshrl.u32 v2, $0x3;
	s1 =	simm.s32 $0x1;
	s7 =	sadd.s32 $0xA, s4;
	[dreg:$0x5] =	wrdreg s5  }
0x20: {  	v0 =	vand.u32 $0x7, v2;
	v2 =	vor.u32 $0x8, v2;
	v1 =	vmul.u32 $0x8, v1;
	s5 =	sadd.s32 $0x100, s2;
	[dreg:$0x4] =	wrdreg s7;
	s7 =	simm.s32 $0x2  }
.LBB2_1:
0x21: {  	[tilespmem:s3], [sflag:$0x2] =	stream.linear.gather [hbm4b:s4+s3], $0x50, $0x38;
	[tilespmem:$0x14100] =	vst v63  }
0x22: {  	_ =	swait.ge [sflag:s7], $0x50  }
0x23: {  	s0 =	rddreg [dreg:$0x4];
	[sflag:s7] =	ssyncset.done $0x0  }
0x24: {  	s9 =	rddreg [dreg:$0x6];
	[sflag:s7] =	ssyncadd.s32 $0xFFFFFFB0  }
0x25: {  	[tilespmem:s9], [sflag:$0x2] =	stream.linear.gather [hbm4b:s0+s3], $0x50, $0x38;
	[tilespmem:$0x14100] =	vst v63  }
0x26: {  	_ =	swait.ge [sflag:s7], $0x50  }
0x27: {  	[sflag:s7] =	ssyncset.done $0x0  }
0x28: {  	s9 =	rddreg [dreg:$0x5];
	[sflag:s7] =	ssyncadd.s32 $0xFFFFFFB0  }
0x29: {  	[tilespmem:s8], [sflag:$0x2] =	stream.linear.gather [hbm4b:s9+s3], $0x14000, $0x38;
	[tilespmem:$0x14100] =	vst v63  }
0x2a: {  	_ =	swait.ge [sflag:s7], $0x14000  }
0x2b: {  	[sflag:s7] =	ssyncset.done $0x0  }
0x2c: {  	[sflag:s7] =	ssyncadd.s32 $0xFFFEC000  }
0x2d: {  	v3 =	vld [tilespmem:$0x0];
	_ =	sdelay $0x4  }
0x2e: {  	v4 =	vshll.u32 v3, $0x2  }
0x2f: {  	v3 =	vand.u32 $0x7, v3;
	v4 =	vand.u32 $0xFFFFFFE0, v4  }
0x30: {  	v3 =	vor.u32 v3, v4  }
0x31: {  	v4 =	vperm.xlane v3, v0;
	_ =	sdelay $0x1  }
0x32: {  	v4 =	vadd.s32 v1, v4;
	_ =	sdelay $0x1  }
0x33: {  	v3 =	vperm.xlane v3, v2;
	_ =	sdelay $0x1  }
0x34: {  	v3 =	vadd.s32 v1, v3  }
0x35: {  	[hbm4b:s2+s3] =	stream.indirect_vreg.scatter [tilespmem:s8], [sflag:$0x1], $0x80, v4, vm0, $0xb8;
	[tilespmem:$0x14100] =	vst v63  }
0x36: {  	s0 =	rddreg [dreg:$0x7]  }
0x37: {  	[hbm4b:s5+s3] =	stream.indirect_vreg.scatter [tilespmem:s0], [sflag:$0x1], $0x80, v4, vm0, $0xb8;
	[tilespmem:$0x14100] =	vst v63  }
0x38: {  	s9 =	rddreg [dreg:$0x8]  }
0x39: {  	[hbm4b:s2+s3] =	stream.indirect_vreg.scatter [tilespmem:s9], [sflag:$0x1], $0x80, v3, vm0, $0xb8;
	[tilespmem:$0x14100] =	vst v63  }
0x3a: {  	s0 =	rddreg [dreg:$0x9]  }
0x3b: {  	[hbm4b:s5+s3] =	stream.indirect_vreg.scatter [tilespmem:s0], [sflag:$0x1], $0x80, v3, vm0, $0xb8;
	[tilespmem:$0x14100] =	vst v63  }
0x3c: {  	v3 =	vld [tilespmem:$0x10];
	_ =	sdelay $0x4  }
0x3d: {  	v55 =	vshll.u32 v3, $0x2  }
0x3e: {  	v3 =	vand.u32 $0x7, v3;
	v4 =	vand.u32 $0xFFFFFFE0, v55  }
0x3f: {  	v3 =	vor.u32 v3, v4  }
0x40: {  	v4 =	vperm.xlane v3, v0;
	_ =	sdelay $0x1  }
0x41: {  	v4 =	vadd.s32 v1, v4;
	_ =	sdelay $0x1  }
0x42: {  	v3 =	vperm.xlane v3, v2;
	_ =	sdelay $0x1  }
0x43: {  	s0 =	rddreg [dreg:$0xa];
	v3 =	vadd.s32 v1, v3  }
0x44: {  	[hbm4b:s2+s3] =	stream.indirect_vreg.scatter [tilespmem:s0], [sflag:$0x1], $0x80, v4, vm0, $0xb8;
	[tilespmem:$0x14100] =	vst v63  }
0x45: {  	s9 =	rddreg [dreg:$0xb]  }
0x46: {  	[hbm4b:s5+s3] =	stream.indirect_vreg.scatter [tilespmem:s9], [sflag:$0x1], $0x80, v4, vm0, $0xb8;
	[tilespmem:$0x14100] =	vst v63  }
0x47: {  	s0 =	rddreg [dreg:$0xc]  }
0x48: {  	[hbm4b:s2+s3] =	stream.indirect_vreg.scatter [tilespmem:s0], [sflag:$0x1], $0x80, v3, vm0, $0xb8;
	[tilespmem:$0x14100] =	vst v63  }
0x49: {  	s9 =	rddreg [dreg:$0xd]  }
0x4a: {  	[hbm4b:s5+s3] =	stream.indirect_vreg.scatter [tilespmem:s9], [sflag:$0x1], $0x80, v3, vm0, $0xb8;
	[tilespmem:$0x14100] =	vst v63  }
0x4b: {  	v3 =	vld [tilespmem:$0x20];
	_ =	sdelay $0x4  }
0x4c: {  	v56 =	vshll.u32 v3, $0x2  }
0x4d: {  	v3 =	vand.u32 $0x7, v3;
	v4 =	vand.u32 $0xFFFFFFE0, v56  }
0x4e: {  	v3 =	vor.u32 v3, v4  }
0x4f: {  	v4 =	vperm.xlane v3, v0;
	_ =	sdelay $0x1  }
0x50: {  	v4 =	vadd.s32 v1, v4;
	_ =	sdelay $0x1  }
0x51: {  	v3 =	vperm.xlane v3, v2;
	_ =	sdelay $0x1  }
0x52: {  	s0 =	rddreg [dreg:$0xe];
	v3 =	vadd.s32 v1, v3  }
0x53: {  	[hbm4b:s2+s3] =	stream.indirect_vreg.scatter [tilespmem:s0], [sflag:$0x1], $0x80, v4, vm0, $0xb8;
	[tilespmem:$0x14100] =	vst v63  }
0x54: {  	s9 =	rddreg [dreg:$0xf]  }
0x55: {  	[hbm4b:s5+s3] =	stream.indirect_vreg.scatter [tilespmem:s9], [sflag:$0x1], $0x80, v4, vm0, $0xb8;
	[tilespmem:$0x14100] =	vst v63  }
0x56: {  	s0 =	rddreg [dreg:$0x10]  }
0x57: {  	[hbm4b:s2+s3] =	stream.indirect_vreg.scatter [tilespmem:s0], [sflag:$0x1], $0x80, v3, vm0, $0xb8;
	[tilespmem:$0x14100] =	vst v63  }
0x58: {  	s9 =	rddreg [dreg:$0x11]  }
0x59: {  	[hbm4b:s5+s3] =	stream.indirect_vreg.scatter [tilespmem:s9], [sflag:$0x1], $0x80, v3, vm0, $0xb8;
	[tilespmem:$0x14100] =	vst v63  }
0x5a: {  	v3 =	vld [tilespmem:$0x30];
	_ =	sdelay $0x4  }
0x5b: {  	v57 =	vshll.u32 v3, $0x2  }
0x5c: {  	v3 =	vand.u32 $0x7, v3;
	v4 =	vand.u32 $0xFFFFFFE0, v57  }
0x5d: {  	v3 =	vor.u32 v3, v4  }
0x5e: {  	v4 =	vperm.xlane v3, v0;
	_ =	sdelay $0x1  }
0x5f: {  	v4 =	vadd.s32 v1, v4;
	_ =	sdelay $0x1  }
0x60: {  	v3 =	vperm.xlane v3, v2;
	_ =	sdelay $0x1  }
0x61: {  	s0 =	rddreg [dreg:$0x12];
	v3 =	vadd.s32 v1, v3  }
0x62: {  	[hbm4b:s2+s3] =	stream.indirect_vreg.scatter [tilespmem:s0], [sflag:$0x1], $0x80, v4, vm0, $0xb8;
	[tilespmem:$0x14100] =	vst v63  }
0x63: {  	s9 =	rddreg [dreg:$0x13]  }
0x64: {  	[hbm4b:s5+s3] =	stream.indirect_vreg.scatter [tilespmem:s9], [sflag:$0x1], $0x80, v4, vm0, $0xb8;
	[tilespmem:$0x14100] =	vst v63  }
0x65: {  	s0 =	rddreg [dreg:$0x14]  }
0x66: {  	[hbm4b:s2+s3] =	stream.indirect_vreg.scatter [tilespmem:s0], [sflag:$0x1], $0x80, v3, vm0, $0xb8;
	[tilespmem:$0x14100] =	vst v63  }
0x67: {  	s9 =	rddreg [dreg:$0x15]  }
0x68: {  	[hbm4b:s5+s3] =	stream.indirect_vreg.scatter [tilespmem:s9], [sflag:$0x1], $0x80, v3, vm0, $0xb8;
	[tilespmem:$0x14100] =	vst v63  }
0x69: {  	v3 =	vld [tilespmem:$0x40];
	_ =	sdelay $0x4  }
0x6a: {  	v58 =	vshll.u32 v3, $0x2  }
0x6b: {  	v3 =	vand.u32 $0x7, v3;
	v4 =	vand.u32 $0xFFFFFFE0, v58  }
0x6c: {  	v3 =	vor.u32 v3, v4  }
0x6d: {  	v4 =	vperm.xlane v3, v0;
	_ =	sdelay $0x1  }
0x6e: {  	v4 =	vadd.s32 v1, v4;
	_ =	sdelay $0x1  }
0x6f: {  	v3 =	vperm.xlane v3, v2;
	_ =	sdelay $0x1  }
0x70: {  	s0 =	rddreg [dreg:$0x16];
	v3 =	vadd.s32 v1, v3  }
0x71: {  	[hbm4b:s2+s3] =	stream.indirect_vreg.scatter [tilespmem:s0], [sflag:$0x1], $0x80, v4, vm0, $0xb8;
	[tilespmem:$0x14100] =	vst v63  }
0x72: {  	s9 =	rddreg [dreg:$0x17]  }
0x73: {  	[hbm4b:s5+s3] =	stream.indirect_vreg.scatter [tilespmem:s9], [sflag:$0x1], $0x80, v4, vm0, $0xb8;
	[tilespmem:$0x14100] =	vst v63  }
0x74: {  	s9 =	simm.s32 $0x9100  }
0x75: {  	[hbm4b:s2+s3] =	stream.indirect_vreg.scatter [tilespmem:s9], [sflag:$0x1], $0x80, v3, vm0, $0xb8;
	[tilespmem:$0x14100] =	vst v63  }
0x76: {  	_ = 	snop  }
0x77: {  	[hbm4b:s5+s3] =	stream.indirect_vreg.scatter [tilespmem:s10], [sflag:$0x1], $0x80, v3, vm0, $0xb8;
	[tilespmem:$0x14100] =	vst v63  }
0x78: {  	v3 =	vld [tilespmem:$0x80];
	_ =	sdelay $0x4  }
0x79: {  	v59 =	vshll.u32 v3, $0x2  }
0x7a: {  	v3 =	vand.u32 $0x7, v3;
	v4 =	vand.u32 $0xFFFFFFE0, v59  }
0x7b: {  	v3 =	vor.u32 v3, v4  }
0x7c: {  	v4 =	vperm.xlane v3, v0;
	_ =	sdelay $0x1  }
0x7d: {  	v4 =	vadd.s32 v1, v4;
	_ =	sdelay $0x1  }
0x7e: {  	v3 =	vperm.xlane v3, v2;
	_ =	sdelay $0x1  }
0x7f: {  	v3 =	vadd.s32 v1, v3  }
0x80: {  	[hbm4b:s2+s3] =	stream.indirect_vreg.scatter [tilespmem:s11], [sflag:$0x1], $0x80, v4, vm0, $0xb8;
	[tilespmem:$0x14100] =	vst v63  }
0x81: {  	_ = 	snop  }
0x82: {  	[hbm4b:s5+s3] =	stream.indirect_vreg.scatter [tilespmem:s12], [sflag:$0x1], $0x80, v4, vm0, $0xb8;
	[tilespmem:$0x14100] =	vst v63  }
0x83: {  	_ = 	snop  }
0x84: {  	[hbm4b:s2+s3] =	stream.indirect_vreg.scatter [tilespmem:s13], [sflag:$0x1], $0x80, v3, vm0, $0xb8;
	[tilespmem:$0x14100] =	vst v63  }
0x85: {  	_ = 	snop  }
0x86: {  	[hbm4b:s5+s3] =	stream.indirect_vreg.scatter [tilespmem:s14], [sflag:$0x1], $0x80, v3, vm0, $0xb8;
	[tilespmem:$0x14100] =	vst v63  }
0x87: {  	v3 =	vld [tilespmem:$0x90];
	_ =	sdelay $0x4  }
0x88: {  	v60 =	vshll.u32 v3, $0x2  }
0x89: {  	v3 =	vand.u32 $0x7, v3;
	v4 =	vand.u32 $0xFFFFFFE0, v60  }
0x8a: {  	v3 =	vor.u32 v3, v4  }
0x8b: {  	v4 =	vperm.xlane v3, v0;
	_ =	sdelay $0x1  }
0x8c: {  	v4 =	vadd.s32 v1, v4;
	_ =	sdelay $0x1  }
0x8d: {  	v3 =	vperm.xlane v3, v2;
	_ =	sdelay $0x1  }
0x8e: {  	v3 =	vadd.s32 v1, v3  }
0x8f: {  	[hbm4b:s2+s3] =	stream.indirect_vreg.scatter [tilespmem:s15], [sflag:$0x1], $0x80, v4, vm0, $0xb8;
	[tilespmem:$0x14100] =	vst v63  }
0x90: {  	_ = 	snop  }
0x91: {  	[hbm4b:s5+s3] =	stream.indirect_vreg.scatter [tilespmem:s16], [sflag:$0x1], $0x80, v4, vm0, $0xb8;
	[tilespmem:$0x14100] =	vst v63  }
0x92: {  	_ = 	snop  }
0x93: {  	[hbm4b:s2+s3] =	stream.indirect_vreg.scatter [tilespmem:s17], [sflag:$0x1], $0x80, v3, vm0, $0xb8;
	[tilespmem:$0x14100] =	vst v63  }
0x94: {  	_ = 	snop  }
0x95: {  	[hbm4b:s5+s3] =	stream.indirect_vreg.scatter [tilespmem:s18], [sflag:$0x1], $0x80, v3, vm0, $0xb8;
	[tilespmem:$0x14100] =	vst v63  }
0x96: {  	v3 =	vld [tilespmem:$0xA0];
	_ =	sdelay $0x4  }
0x97: {  	v61 =	vshll.u32 v3, $0x2  }
0x98: {  	v3 =	vand.u32 $0x7, v3;
	v4 =	vand.u32 $0xFFFFFFE0, v61  }
0x99: {  	v3 =	vor.u32 v3, v4  }
0x9a: {  	v4 =	vperm.xlane v3, v0;
	_ =	sdelay $0x1  }
0x9b: {  	v4 =	vadd.s32 v1, v4;
	_ =	sdelay $0x1  }
0x9c: {  	v3 =	vperm.xlane v3, v2;
	_ =	sdelay $0x1  }
0x9d: {  	v3 =	vadd.s32 v1, v3  }
0x9e: {  	[hbm4b:s2+s3] =	stream.indirect_vreg.scatter [tilespmem:s19], [sflag:$0x1], $0x80, v4, vm0, $0xb8;
	[tilespmem:$0x14100] =	vst v63  }
0x9f: {  	_ = 	snop  }
0xa0: {  	[hbm4b:s5+s3] =	stream.indirect_vreg.scatter [tilespmem:s20], [sflag:$0x1], $0x80, v4, vm0, $0xb8;
	[tilespmem:$0x14100] =	vst v63  }
0xa1: {  	_ = 	snop  }
0xa2: {  	[hbm4b:s2+s3] =	stream.indirect_vreg.scatter [tilespmem:s21], [sflag:$0x1], $0x80, v3, vm0, $0xb8;
	[tilespmem:$0x14100] =	vst v63  }
0xa3: {  	_ = 	snop  }
0xa4: {  	[hbm4b:s5+s3] =	stream.indirect_vreg.scatter [tilespmem:s22], [sflag:$0x1], $0x80, v3, vm0, $0xb8;
	[tilespmem:$0x14100] =	vst v63  }
0xa5: {  	v3 =	vld [tilespmem:$0xB0];
	_ =	sdelay $0x4  }
0xa6: {  	v62 =	vshll.u32 v3, $0x2  }
0xa7: {  	v3 =	vand.u32 $0x7, v3;
	v4 =	vand.u32 $0xFFFFFFE0, v62  }
0xa8: {  	v3 =	vor.u32 v3, v4  }
0xa9: {  	v4 =	vperm.xlane v3, v0;
	_ =	sdelay $0x1  }
0xaa: {  	v4 =	vadd.s32 v1, v4;
	_ =	sdelay $0x1  }
0xab: {  	v3 =	vperm.xlane v3, v2;
	_ =	sdelay $0x1  }
0xac: {  	v3 =	vadd.s32 v1, v3  }
0xad: {  	[hbm4b:s2+s3] =	stream.indirect_vreg.scatter [tilespmem:s23], [sflag:$0x1], $0x80, v4, vm0, $0xb8;
	[tilespmem:$0x14100] =	vst v63  }
0xae: {  	_ = 	snop  }
0xaf: {  	[hbm4b:s5+s3] =	stream.indirect_vreg.scatter [tilespmem:s24], [sflag:$0x1], $0x80, v4, vm0, $0xb8;
	[tilespmem:$0x14100] =	vst v63  }
0xb0: {  	_ = 	snop  }
0xb1: {  	[hbm4b:s2+s3] =	stream.indirect_vreg.scatter [tilespmem:s25], [sflag:$0x1], $0x80, v3, vm0, $0xb8;
	[tilespmem:$0x14100] =	vst v63  }
0xb2: {  	_ = 	snop  }
0xb3: {  	[hbm4b:s5+s3] =	stream.indirect_vreg.scatter [tilespmem:s26], [sflag:$0x1], $0x80, v3, vm0, $0xb8;
	[tilespmem:$0x14100] =	vst v63  }
0xb4: {  	v3 =	vld [tilespmem:$0xC0];
	_ =	sdelay $0x4  }
0xb5: {  	v63 =	vshll.u32 v3, $0x2  }
0xb6: {  	v3 =	vand.u32 $0x7, v3;
	v4 =	vand.u32 $0xFFFFFFE0, v63  }
0xb7: {  	v3 =	vor.u32 v3, v4  }
0xb8: {  	v4 =	vperm.xlane v3, v0;
	_ =	sdelay $0x1  }
0xb9: {  	v4 =	vadd.s32 v1, v4;
	_ =	sdelay $0x1  }
0xba: {  	v3 =	vperm.xlane v3, v2;
	_ =	sdelay $0x1  }
0xbb: {  	v3 =	vadd.s32 v1, v3  }
0xbc: {  	[hbm4b:s2+s3] =	stream.indirect_vreg.scatter [tilespmem:s28], [sflag:$0x1], $0x80, v4, vm0, $0xb8;
	[tilespmem:$0x14100] =	vst v63  }
0xbd: {  	_ = 	snop  }
0xbe: {  	[hbm4b:s5+s3] =	stream.indirect_vreg.scatter [tilespmem:s29], [sflag:$0x1], $0x80, v4, vm0, $0xb8;
	[tilespmem:$0x14100] =	vst v63  }
0xbf: {  	_ = 	snop  }
0xc0: {  	[hbm4b:s2+s3] =	stream.indirect_vreg.scatter [tilespmem:s30], [sflag:$0x1], $0x80, v3, vm0, $0xb8;
	[tilespmem:$0x14100] =	vst v63  }
0xc1: {  	_ = 	snop  }
0xc2: {  	[hbm4b:s5+s3] =	stream.indirect_vreg.scatter [tilespmem:s31], [sflag:$0x1], $0x80, v3, vm0, $0xb8;
	[tilespmem:$0x14100] =	vst v63  }
0xc3: {  	p0 =	sne.s32 s6, $0x1;
	_ =	swait.ge [sflag:s1], $0xA000  }
.Ltmp0:
0xc4: {  	[sflag:s1] =	ssyncset.done $0x0;
	(pc) =	sbr.rel @p0 .LBB2_1-.Ltmp0, $4  }
0xc5: {  	[sflag:s1] =	ssyncadd.s32 $0xFFFF6000  }
0xc6: {  	_ =	swait.ge [sflag:s1], $0xA000  }
0xc7: {  	[sflag:s1] =	ssyncset.done $0x0  }
0xc8: {  	s6 =	sadd.s32 $0xFFFFFFFF, s6;
	[sflag:s1] =	ssyncadd.s32 $0xFFFF6000  }
0xc9: {  	_ =	sfence.sel $0x180000  }
0xca: {  	[bflag:$0x0] =	sbarrier.arrive $0xFFFF  }
0xcb: {  	_ =	strace $0x90000047  }
0xcc: {  	s0 =	stileid.u32;
	[bflag:$0x2] =	sbarrier.arrive $0xFFFF  }
0xcd: {  	p0 =	sne.s32 s0, $0x0;
	s0 =	rddreg [dreg:$0x3]  }
0xce: {  	s0 =	sadd.s32 @!p0 $0x100000, s0  }
0xcf: {  	[sflag:s0] =	ssyncadd.tile.s32 @!p0 $0x1;
	_ =	shalt  }
.Lfunc_end2:
_tile_overlayer_lowered:
.L_overlay_start_2:
0xd0: {  	(tag) =	ssettag $0x2  }
0xd1: {  	s0 =	rddreg [dreg:$0x0];
	s2 =	stileid.u32  }
0xd2: {  	s1 =	rddreg [dreg:$0x1];
	p0 =	sne.s32 s2, $0x0  }
0xd3: {  	s3 =	rddreg [dreg:$0x2];
	[bflag:$0x3] =	sbarrier.arrive $0xFFFF;
	s2 =	simm.s32 @!p0 $0x1C02  }
0xd4: {  	[timem:s3], [sflag:s2] =	dma.local @!p0 [hbm:s0], s1  }
0xd5: {  	s0 =	simm.s32 @!p0 $0x2  }
0xd6: {  	_ =	swait.ge @!p0 [sflag:s0], s1  }
0xd7: {  	s1 =	ssub.s32 @!p0 $0x0, s1;
	[sflag:s0] =	ssyncset.done @!p0 $0x0  }
0xd8: {  	[sflag:s0] =	ssyncadd.s32 @!p0 s1  }
0xd9: {  	[bflag:$0x3] =	sbarrier.arrive $0xFFFF  }
0xda: {  	_ =	shalt  }

</sc_bundles>
